<compile_context>
chip_gen: v7x
topology: tpu7x:2x2x1
jax: 0.10.2.dev20260603
libtpu: 0.0.44.dev20260713+nightly
codegen_flags: <defaults>
</compile_context>

<pallas_src>
import functools
import jax
import jax.numpy as jnp
import numpy as np
from jax import lax
from jax.experimental import pallas as pl
from jax.experimental.pallas import tpu as pltpu
from jax.experimental.pallas import tpu_sc as plsc

H = 32
K = 30
NEG = -1e9


_NC, _NS = 2, 16
_NW = _NC * _NS
_CHUNK = 240


def _pad_len(m):
  per_round = _NW * _CHUNK
  return ((m + per_round - 1) // per_round) * per_round


@functools.partial(jax.jit, static_argnames=("d",))
def _sc_gather(table, idx, d):
  mp = idx.shape[0]
  per_tile = mp // _NW
  nch = per_tile // _CHUNK
  dt = table.dtype
  mesh = plsc.VectorSubcoreMesh(core_axis_name="c", subcore_axis_name="s")

  @functools.partial(
      pl.kernel,
      mesh=mesh,
      compiler_params=pltpu.CompilerParams(use_tc_tiling_on_sc=False),
      out_type=jax.ShapeDtypeStruct((mp, d), dt),
      scratch_types=[
          pltpu.VMEM((_CHUNK,), jnp.int32),
          pltpu.VMEM((_CHUNK, d), dt),
          pltpu.SemaphoreType.DMA,
      ],
  )
  def k(table_hbm, idx_hbm, out_hbm, idx_v, rows_v, sem):
    wid = lax.axis_index("s") * _NC + lax.axis_index("c")
    base = wid * per_tile

    def body(g, carry):
      off = base + g * _CHUNK
      pltpu.sync_copy(idx_hbm.at[pl.ds(off, _CHUNK)], idx_v)
      pltpu.async_copy(table_hbm.at[idx_v], rows_v, sem).wait()
      pltpu.sync_copy(rows_v, out_hbm.at[pl.ds(off, _CHUNK)])
      return carry

    lax.fori_loop(0, nch, body, 0)

  return k(table, idx)


def _pad_idx(idx, mp):
  return jnp.concatenate(
      [idx, jnp.zeros((mp - idx.shape[0],), jnp.int32)])




def _k_ei1(tf, v1, c1):
  n = tf.shape[0]
  blk = 1000

  def body(tf_ref, v_ref, c_ref, o_ref):
    r = jnp.dot(tf_ref[...], v_ref[...],
                preferred_element_type=jnp.float32) + c_ref[0, 0]
    o_ref[...] = jnp.broadcast_to(r, (blk, 8))

  return pl.pallas_call(
      body,
      grid=(n // blk,),
      in_specs=[
          pl.BlockSpec((blk, 8), lambda i: (i, 0)),
          pl.BlockSpec((8, 1), lambda i: (0, 0)),
          pl.BlockSpec((1, 1), lambda i: (0, 0)),
      ],
      out_specs=pl.BlockSpec((blk, 8), lambda i: (i, 0)),
      out_shape=jax.ShapeDtypeStruct((n, 8), jnp.float32),
  )(tf, v1, c1)


def _k_gm(fdg, rij, wc8, wc_last, bc):
  p = fdg.shape[0]
  blk = 6000

  def body(f_ref, r_ref, w_ref, wl_ref, b_ref, o_ref):
    o_ref[...] = (
        jnp.dot(f_ref[...], w_ref[...], preferred_element_type=jnp.float32)
        + r_ref[...] * wl_ref[...] + b_ref[...])

  return pl.pallas_call(
      body,
      grid=(p // blk,),
      in_specs=[
          pl.BlockSpec((blk, 8), lambda i: (i, 0)),
          pl.BlockSpec((blk, 1), lambda i: (i, 0)),
          pl.BlockSpec((8, H), lambda i: (0, 0)),
          pl.BlockSpec((1, H), lambda i: (0, 0)),
          pl.BlockSpec((1, H), lambda i: (0, 0)),
      ],
      out_specs=pl.BlockSpec((blk, H), lambda i: (i, 0)),
      out_shape=jax.ShapeDtypeStruct((p, H), jnp.float32),
  )(fdg, rij, wc8, wc_last, bc)


def _k_att(hjr, eig, bsc, a2m, em, sm):
  n = hjr.shape[0]
  blk = 784

  def body(h_ref, e_ref, b_ref, a2_ref, em_ref, s_ref, o_ref):
    hj = h_ref[...]
    ej = jnp.dot(hj, a2_ref[...], preferred_element_type=jnp.float32)
    e = e_ref[...] + ej
    e = jnp.where(e >= 0, e, 0.2 * e)
    mask = b_ref[...] > 0
    e = jnp.where(mask, e, NEG)
    m = jnp.max(e, axis=1, keepdims=True)
    pexp = jnp.exp(e - m)
    s = jnp.sum(pexp, axis=1, keepdims=True)
    alpha = pexp / s
    alpha = jnp.where(mask, alpha, 0.0)
    ar = jnp.dot(alpha, em_ref[...], preferred_element_type=jnp.float32)
    o = jnp.dot(ar * hj, s_ref[...], preferred_element_type=jnp.float32)
    o_ref[...] = jnp.where(o > 0, o, jnp.exp(jnp.minimum(o, 0.0)) - 1.0)

  return pl.pallas_call(
      body,
      grid=(n // blk,),
      in_specs=[
          pl.BlockSpec((blk, K * H), lambda i: (i, 0)),
          pl.BlockSpec((blk, K), lambda i: (i, 0)),
          pl.BlockSpec((blk, K), lambda i: (i, 0)),
          pl.BlockSpec((K * H, K), lambda i: (0, 0)),
          pl.BlockSpec((K, K * H), lambda i: (0, 0)),
          pl.BlockSpec((K * H, H), lambda i: (0, 0)),
      ],
      out_specs=pl.BlockSpec((blk, H), lambda i: (i, 0)),
      out_shape=jax.ShapeDtypeStruct((n, H), jnp.float32),
  )(hjr, eig, bsc, a2m, em, sm)


def _k_gt2(out1, wg, a1):
  n = out1.shape[0]
  blk = 1000

  def body(x_ref, w_ref, a_ref, g_ref, e_ref):
    g = jnp.dot(x_ref[...], w_ref[...], preferred_element_type=jnp.float32)
    g_ref[...] = g
    e_ref[...] = jnp.broadcast_to(
        jnp.dot(g, a_ref[...], preferred_element_type=jnp.float32), (blk, 8))

  return pl.pallas_call(
      body,
      grid=(n // blk,),
      in_specs=[
          pl.BlockSpec((blk, H), lambda i: (i, 0)),
          pl.BlockSpec((H, H), lambda i: (0, 0)),
          pl.BlockSpec((H, 1), lambda i: (0, 0)),
      ],
      out_specs=[
          pl.BlockSpec((blk, H), lambda i: (i, 0)),
          pl.BlockSpec((blk, 8), lambda i: (i, 0)),
      ],
      out_shape=[
          jax.ShapeDtypeStruct((n, H), jnp.float32),
          jax.ShapeDtypeStruct((n, 8), jnp.float32),
      ],
  )(out1, wg, a1)


def _k_molsum(rows, s50):
  b = rows.shape[0]

  def body(r_ref, s_ref, o_ref):
    o_ref[...] = jnp.dot(r_ref[...], s_ref[...],
                         preferred_element_type=jnp.float32)

  return pl.pallas_call(
      body,
      in_specs=[
          pl.BlockSpec((b, 50 * H), lambda: (0, 0)),
          pl.BlockSpec((50 * H, H), lambda: (0, 0)),
      ],
      out_specs=pl.BlockSpec((b, H), lambda: (0, 0)),
      out_shape=jax.ShapeDtypeStruct((b, H), jnp.float32),
  )(rows, s50)




def kernel(target_features, feature_dist_graph, rij_dist_pairs, b_scope,
           start_end_env, l_scope, scope_update, scope_update_lig, W_emb,
           b_emb, W_dist, b_dist, W_gat, a_gat):
  n = target_features.shape[0]
  p = feature_dist_graph.shape[0]
  b = l_scope.shape[0]
  m = n * K
  mp = _pad_len(m)

  a1 = a_gat[:H]
  a2 = a_gat[H:]
  wga1 = (W_gat @ a1).reshape(H, 1)
  v1 = (W_emb @ wga1).reshape(8, 1)
  c1 = (b_emb @ wga1).reshape(1, 1)
  wc = W_dist @ W_gat
  bc = (b_dist @ W_gat).reshape(1, H)

  eye_h = jnp.eye(H, dtype=jnp.float32)
  a2m = jnp.kron(jnp.eye(K, dtype=jnp.float32), a2.reshape(H, 1))
  em = jnp.kron(jnp.eye(K, dtype=jnp.float32),
                jnp.ones((1, H), jnp.float32))
  sm = jnp.kron(jnp.ones((K, 1), jnp.float32), eye_h)
  s50 = jnp.kron(jnp.ones((50, 1), jnp.float32), eye_h)

  bm1 = _pad_idx(jnp.maximum(b_scope.reshape(-1) - 1, 0), mp)
  see_flat = _pad_idx(start_end_env.reshape(-1), mp)
  mask2d = b_scope

  npad = mp // K
  nblk_pad = npad - n

  def pad_nodes(x):
    return jnp.concatenate(
        [x, jnp.zeros((nblk_pad,) + x.shape[1:], x.dtype)])

  ei1 = _k_ei1(target_features, v1, c1)
  ei1t = jnp.concatenate([jnp.zeros((1, 8), jnp.float32), ei1])
  gm = _k_gm(feature_dist_graph, rij_dist_pairs.reshape(p, 1),
             wc[:8], wc[8:9], bc)

  hj1 = _sc_gather(gm, bm1, H)
  eig1 = _sc_gather(ei1t, see_flat, 8)

  hjr1 = hj1.reshape(npad, K * H)
  eig1r = eig1[:, 0].reshape(npad, K)
  bscp = pad_nodes(mask2d)
  out1 = _k_att(hjr1, eig1r, bscp, a2m, em, sm)[:n]

  gt2, ei2 = _k_gt2(out1, W_gat, a1.reshape(H, 1))
  gt2p = jnp.concatenate([jnp.zeros((1, H), jnp.float32), gt2])
  ei2t = jnp.concatenate([jnp.zeros((1, 8), jnp.float32), ei2])

  su8 = jnp.broadcast_to(scope_update.reshape(p, 1), (p, 8))
  c8 = _sc_gather(jnp.asarray(su8, jnp.int32), bm1, 8)
  cidx = c8[:, 0]
  hj2 = _sc_gather(gt2p, cidx, H)
  eig2 = _sc_gather(ei2t, see_flat, 8)

  hjr2 = hj2.reshape(npad, K * H)
  eig2r = eig2[:, 0].reshape(npad, K)
  out2 = _k_att(hjr2, eig2r, bscp, a2m, em, sm)[:n]

  tfp3 = jnp.concatenate([jnp.zeros((1, H), jnp.float32), out2])
  lm = b * 50
  lmp = _pad_len(lm)
  l_flat = _pad_idx(l_scope.reshape(-1), lmp)
  rows = _sc_gather(tfp3, l_flat, H)[:lm].reshape(b, 50 * H)
  return _k_molsum(rows, s50)

# --- scband reference (transcript-rebuilt; emitter-appended) ---
"""Pipeline reference for scband-pha-gat-model-33741263078267 (READ-ONLY COPY).

The authoritative reference and input builder live on the scoring server;
editing this copy changes nothing except your own understanding.
"""

import jax, jax.numpy as jnp
import numpy as np

FEATURE_FDIM = 8
ALL_FDIM = 9
HIDDEN = 32
NUM_ITERS = 2
N = 50000
P = 1500000
B = 1000


def setup_inputs(seed: int = 0):
    key = jax.random.key(seed)
    ks = jax.random.split(key, 12)
    inp = {}
    inp["target_features"] = jax.random.uniform(ks[0], (N, FEATURE_FDIM), dtype=jnp.float32)
    inp["feature_dist_graph"] = jax.random.uniform(ks[1], (P, FEATURE_FDIM), dtype=jnp.float32)
    inp["rij_dist_pairs"] = jax.random.uniform(ks[2], (P,), dtype=jnp.float32)
    inp["b_scope"] = jax.random.randint(ks[3], (N, 30), 0, P + 1, dtype=jnp.int32)
    inp["start_end_env"] = jax.random.randint(ks[4], (N, 30), 0, N + 1, dtype=jnp.int32)
    inp["l_scope"] = jax.random.randint(ks[5], (B, 50), 0, N + 1, dtype=jnp.int32)
    inp["scope_update"] = jax.random.randint(ks[6], (P,), 0, N + 1, dtype=jnp.int32)
    inp["scope_update_lig"] = jnp.zeros((1,), dtype=jnp.int32)
    inp["W_emb"] = jax.random.uniform(ks[7], (FEATURE_FDIM, HIDDEN), minval=0.1, maxval=0.9, dtype=jnp.float32)
    inp["b_emb"] = jnp.zeros((HIDDEN,), dtype=jnp.float32)
    inp["W_dist"] = jax.random.uniform(ks[8], (ALL_FDIM, HIDDEN), minval=0.1, maxval=0.9, dtype=jnp.float32)
    inp["b_dist"] = jnp.zeros((HIDDEN,), dtype=jnp.float32)
    inp["W_gat"] = jax.random.normal(ks[9], (HIDDEN, HIDDEN), dtype=jnp.float32) * 0.1
    inp["a_gat"] = jax.random.normal(ks[10], (2 * HIDDEN,), dtype=jnp.float32) * 0.1
    return inp


def _gat_layer(node_rep, message, b_scope, W_gat, a_gat):
    H = W_gat.shape[1]
    msg_pad = jnp.concatenate([jnp.zeros((1, message.shape[1]), message.dtype), message], axis=0)
    nbr = jnp.take(msg_pad, b_scope, axis=0)            # [N, 30, H] gather of messages
    h_i = node_rep @ W_gat                               # [N, 30, H]
    h_j = nbr @ W_gat                                    # [N, 30, H]
    e = jnp.concatenate([h_i, h_j], axis=-1) @ a_gat     # [N, 30] attention logits
    e = jax.nn.leaky_relu(e, 0.2)
    mask = b_scope > 0
    e = jnp.where(mask, e, -1e9)
    alpha = jax.nn.softmax(e, axis=1)
    alpha = jnp.where(mask, alpha, 0.0)
    out = jnp.sum(alpha[..., None] * h_j, axis=1)        # [N, H]
    out = jax.nn.elu(out)
    return jnp.concatenate([jnp.zeros((1, H), out.dtype), out], axis=0)  # prepend zero row


def reference(target_features, feature_dist_graph, rij_dist_pairs, b_scope, start_end_env, l_scope, scope_update, scope_update_lig, W_emb, b_emb, W_dist, b_dist, W_gat, a_gat):
    tf_emb = target_features @ W_emb + b_emb                       # embedding Dense
    rij = jnp.reshape(rij_dist_pairs, (rij_dist_pairs.shape[0], 1))
    message = jnp.concatenate([feature_dist_graph, rij], axis=1) @ W_dist + b_dist  # dist_embedding
    tf_pad = jnp.concatenate([jnp.zeros((1, tf_emb.shape[1]), tf_emb.dtype), tf_emb], axis=0)  # zero row at 0
    for _ in range(NUM_ITERS):
        multi = jnp.take(tf_pad, start_end_env, axis=0)            # getConnectedFeatures
        tf_pad = _gat_layer(multi, message, b_scope, W_gat, a_gat)  # GATLayer update
        message = jnp.take(tf_pad, scope_update, axis=0)           # updateConnectedDict gather
    cmp_enc = jnp.take(tf_pad, l_scope, axis=0)                    # [B, 50, H]
    mol_vecs = jnp.sum(cmp_enc, axis=1)                            # [B, H]
    return mol_vecs

if __name__ == "__main__":
    import jax
    _d = setup_inputs()
    print(jax.jit(kernel)(*tuple(_d.values())))

</pallas_src>

<mosaic_0001>
#map = affine_map<(d0, d1) -> (0, 0)>
#map1 = affine_map<(d0, d1) -> (0)>
module attributes {stable_mosaic.version = 14 : i64} {
  func.func @k(%arg0: i32, %arg1: i32, %arg2: memref<1500000x32xf32, #tpu.memory_space<hbm>>, %arg3: memref<1505280xi32, #tpu.memory_space<hbm>>, %arg4: memref<1505280x32xf32, #tpu.memory_space<hbm>>, %arg5: memref<240xi32, #tpu.memory_space<vmem>>, %arg6: memref<240x32xf32, #tpu.memory_space<vmem>>, %arg7: memref<!tpu.dma_semaphore, #tpu.memory_space<semaphore_mem>>) attributes {dimension_semantics = [#tpu.dimension_semantics<core_parallel>, #tpu.dimension_semantics<subcore_parallel>], iteration_bounds = array<i64: 2, 16>, scalar_prefetch = 0 : i64, scratch_operands = 3 : i64, tpu.core_type = #tpu.core_type<sc_vector_subcore>, window_params = [{transform_indices = #map}, {transform_indices = #map1}, {transform_indices = #map}]} {
    %mul3A = arith.constant 2 : i32
    %mul3A_0 = arith.muli %arg1, %mul3A : i32
    %add3A = arith.addi %mul3A_0, %arg0 : i32
    %mul3A_1 = arith.constant 47040 : i32
    %mul3A_2 = arith.muli %add3A, %mul3A_1 : i32
    %scan3A = arith.constant 0 : i32
    %scan3A_3 = arith.constant 0 : i32
    %scan3A_4 = arith.constant 196 : i32
    %scan3A_5 = arith.addi %scan3A_3, %scan3A_4 : i32
    %scan3A_6 = arith.constant 1 : i32
    scf.for %scan3A_8 = %scan3A_3 to %scan3A_5 step %scan3A_6  : i32 {
      %mul3A_9 = arith.constant 240 : i32
      %mul3A_10 = arith.muli %scan3A_8, %mul3A_9 : i32
      %add3A_11 = arith.addi %mul3A_2, %mul3A_10 : i32
      "tpu.region"() ({
        %run_scoped3A = tpu.sem_alloc : memref<!tpu.dma_semaphore, #tpu.memory_space<semaphore_mem>>
        %dma_start3A_16 = tpu.memref_slice %arg3[%add3A_11] : memref<1505280xi32, #tpu.memory_space<hbm>> -> memref<240xi32, #tpu.memory_space<hbm>>
        %dma_start3A_17 = tpu.memref_slice %arg3[%add3A_11] : memref<1505280xi32, #tpu.memory_space<hbm>> -> memref<240xi32, #tpu.memory_space<hbm>>
        tpu.enqueue_dma source(%dma_start3A_17 : memref<240xi32, #tpu.memory_space<hbm>>) target(%arg5 : memref<240xi32, #tpu.memory_space<vmem>>) target_semaphore(%run_scoped3A : memref<!tpu.dma_semaphore, #tpu.memory_space<semaphore_mem>>)
        %dma_wait3A_18 = tpu.memref_slice %arg3[%add3A_11] : memref<1505280xi32, #tpu.memory_space<hbm>> -> memref<240xi32, #tpu.memory_space<hbm>>
        %dma_wait3A_19 = tpu.memref_slice %arg3[%add3A_11] : memref<1505280xi32, #tpu.memory_space<hbm>> -> memref<240xi32, #tpu.memory_space<hbm>>
        tpu.wait_dma2 semaphore(%run_scoped3A : memref<!tpu.dma_semaphore, #tpu.memory_space<semaphore_mem>>) src(%dma_wait3A_19 : memref<240xi32, #tpu.memory_space<hbm>>) dst(%arg5 : memref<240xi32, #tpu.memory_space<vmem>>)
        tpu.yield
      }) : () -> ()
      %dma_start3A = arith.constant 0 : i32
      %dma_start3A_12 = arith.constant 0 : i32
      %dma_start3A_13 = tpu.memref_slice %arg2[%dma_start3A, %dma_start3A_12] : memref<1500000x32xf32, #tpu.memory_space<hbm>> -> memref<1500000x32xf32, #tpu.memory_space<hbm>>
      tpu.enqueue_indirect_dma source(%dma_start3A_13 : memref<1500000x32xf32, #tpu.memory_space<hbm>>) target(%arg6 : memref<240x32xf32, #tpu.memory_space<vmem>>) offsets(%arg5 : memref<240xi32, #tpu.memory_space<vmem>>) semaphore(%arg7 : memref<!tpu.dma_semaphore, #tpu.memory_space<semaphore_mem>>)
      %dma_wait3A = arith.constant 0 : i32
      %dma_wait3A_14 = arith.constant 0 : i32
      %dma_wait3A_15 = tpu.memref_slice %arg2[%dma_wait3A, %dma_wait3A_14] : memref<1500000x32xf32, #tpu.memory_space<hbm>> -> memref<1500000x32xf32, #tpu.memory_space<hbm>>
      tpu.wait_indirect_dma semaphore(%arg7 : memref<!tpu.dma_semaphore, #tpu.memory_space<semaphore_mem>>) src(%dma_wait3A_15 : memref<1500000x32xf32, #tpu.memory_space<hbm>>) dst(%arg6 : memref<240x32xf32, #tpu.memory_space<vmem>>)
      "tpu.region"() ({
        %run_scoped3A = tpu.sem_alloc : memref<!tpu.dma_semaphore, #tpu.memory_space<semaphore_mem>>
        %dma_start3A_16 = arith.constant 0 : i32
        %dma_start3A_17 = tpu.memref_slice %arg4[%add3A_11, %dma_start3A_16] : memref<1505280x32xf32, #tpu.memory_space<hbm>> -> memref<240x32xf32, #tpu.memory_space<hbm>>
        %dma_start3A_18 = arith.constant 0 : i32
        %dma_start3A_19 = tpu.memref_slice %arg4[%add3A_11, %dma_start3A_18] : memref<1505280x32xf32, #tpu.memory_space<hbm>> -> memref<240x32xf32, #tpu.memory_space<hbm>>
        tpu.enqueue_dma source(%arg6 : memref<240x32xf32, #tpu.memory_space<vmem>>) target(%dma_start3A_19 : memref<240x32xf32, #tpu.memory_space<hbm>>) target_semaphore(%run_scoped3A : memref<!tpu.dma_semaphore, #tpu.memory_space<semaphore_mem>>)
        %dma_wait3A_20 = arith.constant 0 : i32
        %dma_wait3A_21 = tpu.memref_slice %arg4[%add3A_11, %dma_wait3A_20] : memref<1505280x32xf32, #tpu.memory_space<hbm>> -> memref<240x32xf32, #tpu.memory_space<hbm>>
        %dma_wait3A_22 = arith.constant 0 : i32
        %dma_wait3A_23 = tpu.memref_slice %arg4[%add3A_11, %dma_wait3A_22] : memref<1505280x32xf32, #tpu.memory_space<hbm>> -> memref<240x32xf32, #tpu.memory_space<hbm>>
        tpu.wait_dma2 semaphore(%run_scoped3A : memref<!tpu.dma_semaphore, #tpu.memory_space<semaphore_mem>>) src(%arg6 : memref<240x32xf32, #tpu.memory_space<vmem>>) dst(%dma_wait3A_23 : memref<240x32xf32, #tpu.memory_space<hbm>>)
        tpu.yield
      }) : () -> ()
    }
    %scan3A_7 = arith.constant 196 : i32
    return
  }
}

</mosaic_0001>

<sc_bundles>
// kernel: _sc_gather.3.cloned.1.call-start
scs
__scs_entry_jumppad:
0x0: {  	(pc) =	sbr.rel $0x88, $3  }
0x1: {  	(tag) =	ssettag $0x0;
	lr =	simm.s32 $0x1  }
0x2: {  	[smem:$0x3F9F] =	sst lr;
	_ =	strace $0xD0000000  }
0x3: {  	_ = 	snop  }
0x4: {  	_ = 	snop  }
0x5: {  	_ = 	snop  }
0x6: {  	_ = 	snop  }
0x7: {  	_ = 	snop  }
__scs_overlays_trampoline_lowered:
0x8: {  	[smem:$0x3FAE] =	sst s0  }
0x9: {  	[smem:$0x3FAF] =	sst s1  }
0xa: {  	[smem:$0x3FB0] =	sst s2  }
0xb: {  	[smem:$0x3FB1] =	sst s3  }
0xc: {  	[smem:$0x3FB2] =	sst s4  }
0xd: {  	[smem:$0x3FB3] =	sst s5  }
0xe: {  	[smem:$0x3FB4] =	sst s6  }
0xf: {  	[smem:$0x3FB5] =	sst s7  }
0x10: {  	[smem:$0x3FB6] =	sst s8  }
0x11: {  	[smem:$0x3FB7] =	sst s9;
	s0 =	simm.s32 @!p0 $0x0  }
0x12: {  	s1 =	sld [smem:$0x3F9D];
	s0 =	simm.s32 @p0 $0x1  }
0x13: {  	[smem:$0x3FB8] =	sst s0;
	s0 =	simm.s32 @!p1 $0x0  }
0x14: {  	s2 =	sld [smem:$0x3F9C];
	s0 =	simm.s32 @p1 $0x1  }
0x15: {  	[smem:$0x3FB9] =	sst s0;
	s0 =	simm.s32 @!p2 $0x0  }
0x16: {  	s3 =	sld [smem:$0x3FDB];
	s0 =	simm.s32 @p2 $0x1  }
0x17: {  	s4 =	simm.s32 $0x1BF5;
	[smem:$0x3FBB] =	sst s0  }
0x18: {  	s0 =	sld [smem:$0x3F9E];
	_ =	swait.ge [sflag:s4], $0x0  }
0x19: {  	s7 =	sld [smem:$0x3F9F]  }
0x1a: {  	s8 =	sadd.s32 $0xFFFFE003, lr  }
0x1b: {  	s9 =	sadd.s32 $0xFFFFFEF7, lr;
	s5 =	simm.s32 $0xFFFFFFFF;
	p2 =	slt.u32 s8, $0xFFFFF086  }
0x1c: {  	p1 =	slt.u32 s9, $0xF7A;
	s5 =	simm.s32 @!p2 $0x0  }
0x1d: {  	s5 =	simm.s32 @p1 $0x1;
	p0 =	seq.s32 s7, s2  }
0x1e: {  	s7 =	smul.u32 @!p0 $0xF7A, s2;
	p2 =	seq.s32 @!p0 s5, $0x0  }
0x1f: {  	s9 =	smul.u32 $0xF7A, s1;
	s8 =	simm.s32 @!p0 $0x1BF5;
	p2 =	por !p2, p0  }
0x20: {  	[sflag:s8] =	ssyncset.s32 @!p0 $0xFFFFF086;
	s6 =	sadd.s32 @!p0 s3, s7;
	s7 =	simm.s32 @!p0 $0x108  }
0x21: {  	s3 =	sadd.s32 s3, s9;
	s6 =	sadd.s32 @!p0 $0x88, s6;
	s7 =	simm.s32 @p2 $0x1082  }
0x22: {  	[simem:s7], [sflag:s8] =	dma.local @!p0 [hbm:s6], $0xF7A  }
0x23: {  	s9 =	sor.u32 $0xD0000000, s2;
	s6 =	simm.s32 $0x108;
	_ =	swait.ge @!p0 [sflag:s8], $0x0  }
0x24: {  	s3 =	sadd.s32 $0x88, s3;
	s6 =	simm.s32 @!p1 $0x1082;
	[sflag:s4] =	ssyncset.s32 $0xFFFFF086  }
0x25: {  	[simem:s6], [sflag:s4] =	dma.local [hbm:s3], $0xF7A  }
0x26: {  	[smem:$0x3F9F] =	sst s1;
	(tag) =	ssettag s2;
	_ =	strace s9  }
0x27: {  	s1 =	sld [smem:$0x3FAF]  }
0x28: {  	s2 =	sld [smem:$0x3FB0]  }
0x29: {  	s4 =	sld [smem:$0x3FB2]  }
0x2a: {  	p0 =	seq.s32 s5, $0x0;
	s5 =	sld [smem:$0x3FB3]  }
0x2b: {  	s6 =	sld [smem:$0x3FB4]  }
0x2c: {  	s7 =	sld [smem:$0x3FB5]  }
0x2d: {  	s3 =	simm.s32 $0x108;
	s8 =	sld [smem:$0x3FB6]  }
0x2e: {  	s3 =	simm.s32 @!p0 $0x1082;
	s9 =	sld [smem:$0x3FB7]  }
0x2f: {  	lr =	sadd.s32 s0, s3;
	s0 =	sld [smem:$0x3FAE]  }
0x30: {  	s3 =	sld [smem:$0x3FB1]  }
0x31: {  	[smem:$0x3FBA] =	sst s10  }
0x32: {  	s10 =	sld [smem:$0x3FB8];
	_ =	sdelay $0x3  }
0x33: {  	p0 =	seq.s32 s10, $0x1;
	s10 =	sld [smem:$0x3FBA];
	_ =	sdelay $0x3  }
0x34: {  	[smem:$0x3FBA] =	sst s10  }
0x35: {  	s10 =	sld [smem:$0x3FB9];
	_ =	sdelay $0x3  }
0x36: {  	p1 =	seq.s32 s10, $0x1;
	s10 =	sld [smem:$0x3FBA];
	_ =	sdelay $0x3  }
0x37: {  	[smem:$0x3FBA] =	sst s10  }
0x38: {  	s10 =	sld [smem:$0x3FBB]  }
0x39: {  	_ = 	snop;
	(pc) =	sbr.ind lr, $3  }
0x3a: {  	_ = 	snop  }
0x3b: {  	_ = 	snop  }
0x3c: {  	p2 =	seq.s32 s10, $0x1;
	s10 =	sld [smem:$0x3FBA]  }
0x3d: {  	_ =	shalt  }
0x3e: {  	_ =	shalt  }
0x3f: {  	_ =	shalt  }
0x40: {  	_ =	shalt  }
0x41: {  	_ =	shalt  }
0x42: {  	_ =	shalt  }
0x43: {  	_ =	shalt  }
0x44: {  	_ =	shalt  }
0x45: {  	_ =	shalt  }
0x46: {  	_ =	shalt  }
0x47: {  	_ =	shalt  }
0x48: {  	_ =	shalt  }
0x49: {  	_ =	shalt  }
0x4a: {  	_ =	shalt  }
0x4b: {  	_ =	shalt  }
0x4c: {  	_ =	shalt  }
0x4d: {  	_ =	shalt  }
0x4e: {  	_ =	shalt  }
0x4f: {  	_ =	shalt  }
0x50: {  	_ =	shalt  }
0x51: {  	_ =	shalt  }
0x52: {  	_ =	shalt  }
0x53: {  	_ =	shalt  }
0x54: {  	_ =	shalt  }
0x55: {  	_ =	shalt  }
0x56: {  	_ =	shalt  }
0x57: {  	_ =	shalt  }
0x58: {  	_ =	shalt  }
0x59: {  	_ =	shalt  }
0x5a: {  	_ =	shalt  }
0x5b: {  	_ =	shalt  }
0x5c: {  	_ =	shalt  }
0x5d: {  	_ =	shalt  }
0x5e: {  	_ =	shalt  }
0x5f: {  	_ =	shalt  }
0x60: {  	_ =	shalt  }
0x61: {  	_ =	shalt  }
0x62: {  	_ =	shalt  }
0x63: {  	_ =	shalt  }
0x64: {  	_ =	shalt  }
0x65: {  	_ =	shalt  }
0x66: {  	_ =	shalt  }
0x67: {  	_ =	shalt  }
0x68: {  	_ =	shalt  }
0x69: {  	_ =	shalt  }
0x6a: {  	_ =	shalt  }
0x6b: {  	_ =	shalt  }
0x6c: {  	_ =	shalt  }
0x6d: {  	_ =	shalt  }
0x6e: {  	_ =	shalt  }
0x6f: {  	_ =	shalt  }
0x70: {  	_ =	shalt  }
0x71: {  	_ =	shalt  }
0x72: {  	_ =	shalt  }
0x73: {  	_ =	shalt  }
0x74: {  	_ =	shalt  }
0x75: {  	_ =	shalt  }
0x76: {  	_ =	shalt  }
0x77: {  	_ =	shalt  }
0x78: {  	_ =	shalt  }
0x79: {  	_ =	shalt  }
0x7a: {  	_ =	shalt  }
0x7b: {  	_ =	shalt  }
0x7c: {  	_ =	shalt  }
0x7d: {  	_ =	shalt  }
0x7e: {  	_ =	shalt  }
0x7f: {  	_ =	shalt  }
0x80: {  	_ =	shalt  }
0x81: {  	_ =	shalt  }
0x82: {  	_ =	shalt  }
0x83: {  	_ =	shalt  }
0x84: {  	_ =	shalt  }
0x85: {  	_ =	shalt  }
0x86: {  	_ =	shalt  }
0x87: {  	_ =	shalt  }
.Lfunc_end0:
.L_simem_size_0:
called_computation.1_lowered:
.L_overlay_start_0:
0x88: {  	s2 =	sld [smem:$0x3FD9]  }
0x89: {  	s3 =	sld [smem:$0x3FFE];
	_ =	sdelay $0x1  }
0x8a: {  	s1 =	srdreg.scid  }
0x8b: {  	s0 =	sand.u32 $0x1, s1  }
0x8c: {  	s17 =	sshll.u32 s0, $0xA;
	s2 =	sadd.s32 s3, s2  }
0x8d: {  	s2 =	sadd.s32 s2, s17  }
0x8e: {  	[smem:$0x3FC6] =	sst s2  }
0x8f: {  	_ = 	snop  }
0x90: {  	s2 =	sld [smem:$0x3FC8]  }
0x91: {  	s18 =	sld [smem:$0x3FD0];
	(tm) =	ssettm $0x1  }
0x92: {  	s4 =	sld [smem:$0x3FFB];
	_ =	sdelay $0x3  }
0x93: {  	_ =	strace s4  }
0x94: {  	s4 =	sld [smem:$0x3FFC];
	_ =	sdelay $0x3  }
0x95: {  	_ =	strace s4  }
0x96: {  	s4 =	sld [smem:$0x3FFD];
	_ =	sdelay $0x3  }
0x97: {  	_ =	strace s4  }
0x98: {  	_ =	strace $0x8FFFFFFF  }
0x99: {  	s19 =	sld [smem:$0x3FDB];
	_ =	sdelay $0x1  }
0x9a: {  	s5 =	simm.s32 $_scs_section_size  }
0x9b: {  	s6 =	simm.s32 $_size__tile_overlayer_lowered;
	s7 =	simm.s32 $_tile_overlayer_lowered  }
0x9c: {  	s22 =	simm.s32 $0x1BFF;
	s21 =	sshll.u32 s7, $0x1;
	s4 =	sadd.s32 s5, s19  }
0x9d: {  	s8 =	simm.s32 $0x0;
	s20 =	sshll.u32 s6, $0x1;
	s6 =	sadd.s32 s21, s4  }
0x9e: {  	[timem:s8], [sflag:s22] =	dma.local [hbm:s6], s20  }
0x9f: {  	_ =	swait.ge [sflag:s22], s20  }
0xa0: {  	s5 =	ssub.s32 $0x0, s20;
	[sflag:s22] =	ssyncset.done $0x0  }
0xa1: {  	[sflag:s22] =	ssyncadd.s32 s5;
	_ =	sdelay $0x1  }
0xa2: {  	s23 =	simm.s32 $0x1B8B  }
0xa3: {  	_ =	swait.ge [sflag:s23], $0x1  }
0xa4: {  	[sflag:s23] =	ssyncset.done $0x0  }
0xa5: {  	s25 =	simm.s32 $0x1B8E;
	s24 =	sld [smem:$0x3FFE];
	[sflag:s23] =	ssyncadd.s32 $0xFFFFFFFF  }
0xa6: {  	s26 =	simm.s32 $execute0_lowered;
	[smem:$0x3FD2] =	sst s25  }
0xa7: {  	s6 =	sshll.u32 s26, $0x1;
	_ =	strace $0x80000046;
	[dreg:$0x1] =	wrdreg $0xFFFFFFFF  }
0xa8: {  	s28 =	simm.s32 $_size_execute0_lowered;
	s4 =	sadd.s32 s4, s6;
	[dreg:$0x0] =	wrdreg $0x0  }
0xa9: {  	s6 =	sshll.u32 s28, $0x1;
	[dreg:$0x2] =	wrdreg s4  }
0xaa: {  	[dreg:$0x3] =	wrdreg s6  }
0xab: {  	[dreg:$0x4] =	wrdreg $0xC0  }
0xac: {  	_ =	task [dreg:s8], $0x5FFFF  }
0xad: {  	[dreg:$0x1] =	wrdreg $0xFFFFFFFF  }
0xae: {  	[dreg:$0x0] =	wrdreg $0x60  }
0xaf: {  	[dreg:$0x2] =	wrdreg s24  }
0xb0: {  	[dreg:$0x3] =	wrdreg s2  }
0xb1: {  	[dreg:$0x4] =	wrdreg s18  }
0xb2: {  	[dreg:$0x5] =	wrdreg $0x9  }
0xb3: {  	_ =	task.clear_ibuf [dreg:s8], $0x6FFFF;
	_ =	strace $0x90000046  }
0xb4: {  	s29 =	simm.s32 $0x9;
	_ =	strace $0x80000048  }
0xb5: {  	_ =	swait.ge [sflag:s29], $0x1  }
0xb6: {  	[sflag:s29] =	ssyncadd.s32 $0xFFFFFFFF  }
0xb7: {  	_ =	strace $0x90000048  }
0xb8: {  	_ =	sfence  }
0xb9: {  	s30 =	sld [smem:$0x0];
	_ =	sdelay $0x2  }
0xba: {  	s31 =	sshll.u32 s1, $0xD;
	s1 =	sshrl.u32 s1, $0x2  }
0xbb: {  	s3 =	sand.u32 $0x4000, s31;
	s1 =	sadd.s32 s1, s30  }
0xbc: {  	s0 =	sor.u32 s3, s0;
	s1 =	sshll.u32 s1, $0x11  }
0xbd: {  	s0 =	sor.u32 s1, s0  }
0xbe: {  	s0 =	sadd.s32 $0x8F2B, s0  }
0xbf: {  	[sflag:s0] =	ssyncadd.remote.s32 $0x1  }
0xc0: {  	_ =	sfence.sel $0xFFFF  }
0xc1: {  	[dreg:$0x0] =	wrdreg $0xFFFFFFFF;
	(pc) =	sbr.abs _section_cstart, $3  }
0xc2: {  	[dreg:$0x1] =	wrdreg $0xFFFFFFFF  }
0xc3: {  	_ =	task.clear_ibuf [dreg:s8], $0x2FFFF;
	_ =	strace $0x9FFFFFFF  }
0xc4: {  	(tm) =	ssettm $0x7FFFFFFF  }
0xc5: {  	_ =	shalt  }
tec
execute0_lowered:
.L_overlay_start_1:
0x0: {  	(tag) =	ssettag $0x1  }
0x1: {  	s3 =	rddreg [dreg:$0x0]  }
0x2: {  	s6 =	rddreg [dreg:$0x1]  }
0x3: {  	s5 =	rddreg [dreg:$0x2]  }
0x4: {  	s2 =	srdreg.scid;
	s1 =	stileid.u32  }
0x5: {  	s0 =	rddreg [dreg:$0x3];
	s8 =	smul.u32 $0x16F80, s1  }
0x6: {  	s4 =	sand.u32 $0x1, s2;
	s2 =	simm.s32 $0x0;
	s30 =	smul.u32 $0x5BE00, s1  }
0x7: {  	s3 =	sadd.s32 $0x16E3E00, s3;
	s7 =	ssub.s32 $0x2, s4;
	s10 =	smul.u32 $0xB7C0, s4  }
0x8: {  	[smem:$0x7FF] =	sst s2;
	s11 =	smul.u32 $0x2DF00, s4;
	s9 =	sshrl.u32 s7, $0x1  }
0x9: {  	_ =	strace $0x80000047;
	s5 =	sadd.s32 s30, s5;
	s7 =	ssub.s32 s7, s9  }
0xa: {  	s8 =	sadd.s32 s10, s8;
	s5 =	sadd.s32 s11, s5;
	s9 =	simm.s32 $0x1  }
0xb: {  	s10 =	simm.s32 $0x0;
	s4 =	smax.u32 s7, $0x1;
	s31 =	sshrl.u32 s8, $0x3  }
0xc: {  	s7 =	simm.s32 $0x2;
	s8 =	simm.s32 $0xF0;
	s6 =	sadd.s32 s31, s6  }
.LBB2_1:
0xd: {  	s11 =	sadd.s32 $0x0, s6  }
0xe: {  	[tilespmem:s2], [sflag:$0x2] =	stream.linear.gather [hbm4b:s11+s2], $0xF0, $0x38;
	[tilespmem:$0x1EF0] =	vst v63  }
0xf: {  	_ =	swait.ge [sflag:s7], $0xF0  }
0x10: {  	[sflag:s7] =	ssyncset.done $0x0  }
0x11: {  	[sflag:s7] =	ssyncadd.s32 $0xFFFFFF10  }
0x12: {  	[tilespmem:s8], [sflag:$0x1] =	stream.indirect.gather [hbm4b:s3+s8], $0x20, s2, s8, $0xb8;
	[tilespmem:$0x1EF0] =	vst v63  }
0x13: {  	_ =	swait.ge [sflag:s9], $0x1E00  }
0x14: {  	[sflag:s9] =	ssyncset.done $0x0  }
0x15: {  	[sflag:s9] =	ssyncadd.s32 $0xFFFFE200  }
0x16: {  	[hbm4b:s5+s2] =	stream.linear.scatter [tilespmem:s8], [sflag:$0x2], $0x1E00, $0x38;
	[tilespmem:$0x1EF0] =	vst v63  }
0x17: {  	s12 =	simm.s32 $0x1E;
	_ =	swait.ge [sflag:s7], $0x1E00  }
0x18: {  	s13 =	simm.s32 $0x3C;
	s11 =	sadd.s32 $0x3C0, s5;
	[sflag:s7] =	ssyncset.done $0x0  }
.LBB2_2:
0x19: {  	s14 =	sadd.s32 s12, s6  }
0x1a: {  	[sflag:s7] =	ssyncadd.s32 $0xFFFFE200;
	s12 =	smov.u32 s13;
	s15 =	sadd.s32 $0x1E, s13  }
0x1b: {  	[tilespmem:s2], [sflag:$0x2] =	stream.linear.gather [hbm4b:s14+s2], $0xF0, $0x38;
	[tilespmem:$0x1EF0] =	vst v63  }
0x1c: {  	p0 =	sne.s32 s13, $0x16DA;
	_ =	swait.ge [sflag:s7], $0xF0  }
0x1d: {  	[sflag:s7] =	ssyncset.done $0x0  }
0x1e: {  	[sflag:s7] =	ssyncadd.s32 $0xFFFFFF10  }
0x1f: {  	[tilespmem:s8], [sflag:$0x1] =	stream.indirect.gather [hbm4b:s3+s8], $0x20, s2, s8, $0xb8;
	[tilespmem:$0x1EF0] =	vst v63  }
0x20: {  	_ =	swait.ge [sflag:s9], $0x1E00  }
.Ltmp0:
0x21: {  	[sflag:s9] =	ssyncset.done $0x0;
	(pc) =	sbr.rel @p0 .LBB2_2-.Ltmp0, $4  }
0x22: {  	[sflag:s9] =	ssyncadd.s32 $0xFFFFE200  }
0x23: {  	[hbm4b:s11+s2] =	stream.linear.scatter [tilespmem:s8], [sflag:$0x2], $0x1E00, $0x38;
	[tilespmem:$0x1EF0] =	vst v63  }
0x24: {  	_ =	swait.ge [sflag:s7], $0x1E00  }
0x25: {  	s13 =	smov.u32 s15;
	s11 =	sadd.s32 $0x3C0, s11;
	[sflag:s7] =	ssyncset.done $0x0  }
0x26: {  	s12 =	sadd.s32 s12, s6;
	[sflag:s7] =	ssyncadd.s32 $0xFFFFE200  }
0x27: {  	[tilespmem:s2], [sflag:$0x2] =	stream.linear.gather [hbm4b:s12+s2], $0xF0, $0x38;
	[tilespmem:$0x1EF0] =	vst v63  }
0x28: {  	_ =	swait.ge [sflag:s7], $0xF0  }
0x29: {  	[sflag:s7] =	ssyncset.done $0x0  }
0x2a: {  	[sflag:s7] =	ssyncadd.s32 $0xFFFFFF10  }
0x2b: {  	[tilespmem:s8], [sflag:$0x1] =	stream.indirect.gather [hbm4b:s3+s8], $0x20, s2, s8, $0xb8;
	[tilespmem:$0x1EF0] =	vst v63  }
0x2c: {  	s10 =	sadd.s32 $0x1, s10;
	_ =	swait.ge [sflag:s9], $0x1E00  }
0x2d: {  	p0 =	sne.s32 s10, s4;
	[sflag:s9] =	ssyncset.done $0x0  }
.Ltmp1:
0x2e: {  	[sflag:s9] =	ssyncadd.s32 $0xFFFFE200;
	(pc) =	sbr.rel @p0 .LBB2_1-.Ltmp1, $4  }
0x2f: {  	[hbm4b:s11+s2] =	stream.linear.scatter [tilespmem:s8], [sflag:$0x2], $0x1E00, $0x38;
	[tilespmem:$0x1EF0] =	vst v63  }
0x30: {  	_ =	swait.ge [sflag:s7], $0x1E00  }
0x31: {  	[sflag:s7] =	ssyncset.done $0x0  }
0x32: {  	[sflag:s7] =	ssyncadd.s32 $0xFFFFE200  }
0x33: {  	_ =	sfence.sel $0x180000  }
0x34: {  	[bflag:$0x0] =	sbarrier.arrive $0xFFFF  }
0x35: {  	p0 =	sne.s32 s1, $0x0;
	_ =	strace $0x90000047  }
0x36: {  	s0 =	sadd.s32 @!p0 $0x100000, s0;
	[bflag:$0x2] =	sbarrier.arrive $0xFFFF  }
0x37: {  	[sflag:s0] =	ssyncadd.tile.s32 @!p0 $0x1;
	_ =	shalt  }
.Lfunc_end2:
_tile_overlayer_lowered:
.L_overlay_start_2:
0x38: {  	(tag) =	ssettag $0x2  }
0x39: {  	s0 =	rddreg [dreg:$0x0];
	s2 =	stileid.u32  }
0x3a: {  	s1 =	rddreg [dreg:$0x1];
	p0 =	sne.s32 s2, $0x0  }
0x3b: {  	s3 =	rddreg [dreg:$0x2];
	[bflag:$0x3] =	sbarrier.arrive $0xFFFF;
	s2 =	simm.s32 @!p0 $0x1C02  }
0x3c: {  	[timem:s3], [sflag:s2] =	dma.local @!p0 [hbm:s0], s1  }
0x3d: {  	s0 =	simm.s32 @!p0 $0x2  }
0x3e: {  	_ =	swait.ge @!p0 [sflag:s0], s1  }
0x3f: {  	s1 =	ssub.s32 @!p0 $0x0, s1;
	[sflag:s0] =	ssyncset.done @!p0 $0x0  }
0x40: {  	[sflag:s0] =	ssyncadd.s32 @!p0 s1  }
0x41: {  	[bflag:$0x3] =	sbarrier.arrive $0xFFFF  }
0x42: {  	_ =	shalt  }

// kernel: sparse-core-data-format-call.cloned.1.call-start
scs
called_computation_lowered:
.L_overlay_start_0:
0x0: {  	s2 =	sld [smem:$0x3FD9]  }
0x1: {  	s3 =	sld [smem:$0x3FFE];
	_ =	sdelay $0x1  }
0x2: {  	s1 =	srdreg.scid  }
0x3: {  	s0 =	sand.u32 $0x1, s1  }
0x4: {  	s18 =	sshll.u32 s0, $0xA;
	s2 =	sadd.s32 s3, s2  }
0x5: {  	s2 =	sadd.s32 s2, s18  }
0x6: {  	[smem:$0x3FC6] =	sst s2  }
0x7: {  	_ = 	snop  }
0x8: {  	s2 =	sld [smem:$0x3FD0];
	(tm) =	ssettm $0x1  }
0x9: {  	s19 =	sld [smem:$0x3FFB];
	_ =	sdelay $0x3  }
0xa: {  	_ =	strace s19  }
0xb: {  	s3 =	sld [smem:$0x3FFC];
	_ =	sdelay $0x3  }
0xc: {  	_ =	strace s3  }
0xd: {  	s3 =	sld [smem:$0x3FFD];
	_ =	sdelay $0x3  }
0xe: {  	_ =	strace s3  }
0xf: {  	_ =	strace $0x8FFFFFFF  }
0x10: {  	s20 =	sld [smem:$0x3FDB];
	_ =	sdelay $0x1  }
0x11: {  	s4 =	simm.s32 $_scs_section_size  }
0x12: {  	s5 =	simm.s32 $_size__tile_overlayer_lowered;
	s6 =	simm.s32 $_tile_overlayer_lowered  }
0x13: {  	s23 =	simm.s32 $0x1BFF;
	s22 =	sshll.u32 s6, $0x1;
	s3 =	sadd.s32 s4, s20  }
0x14: {  	s7 =	simm.s32 $0x0;
	s21 =	sshll.u32 s5, $0x1;
	s5 =	sadd.s32 s22, s3  }
0x15: {  	[timem:s7], [sflag:s23] =	dma.local [hbm:s5], s21  }
0x16: {  	_ =	swait.ge [sflag:s23], s21  }
0x17: {  	s4 =	ssub.s32 $0x0, s21;
	[sflag:s23] =	ssyncset.done $0x0  }
0x18: {  	[sflag:s23] =	ssyncadd.s32 s4;
	_ =	sdelay $0x1  }
0x19: {  	s24 =	simm.s32 $0x1B8B  }
0x1a: {  	_ =	swait.ge [sflag:s24], $0x1  }
0x1b: {  	[sflag:s24] =	ssyncset.done $0x0  }
0x1c: {  	s26 =	simm.s32 $0x1B8E;
	s25 =	sld [smem:$0x3FFE];
	[sflag:s24] =	ssyncadd.s32 $0xFFFFFFFF  }
0x1d: {  	s27 =	simm.s32 $execute0_lowered;
	[smem:$0x3FD2] =	sst s26  }
0x1e: {  	s5 =	sshll.u32 s27, $0x1;
	_ =	strace $0x80000049;
	[dreg:$0x1] =	wrdreg $0xFFFFFFFF  }
0x1f: {  	s28 =	simm.s32 $_size_execute0_lowered;
	s3 =	sadd.s32 s3, s5;
	[dreg:$0x0] =	wrdreg $0x0  }
0x20: {  	s5 =	sshll.u32 s28, $0x1;
	[dreg:$0x2] =	wrdreg s3  }
0x21: {  	[dreg:$0x3] =	wrdreg s5  }
0x22: {  	[dreg:$0x4] =	wrdreg $0xC0  }
0x23: {  	_ =	task [dreg:s7], $0x5FFFF  }
0x24: {  	[dreg:$0x1] =	wrdreg $0xFFFFFFFF  }
0x25: {  	[dreg:$0x0] =	wrdreg $0x60  }
0x26: {  	[dreg:$0x2] =	wrdreg s25  }
0x27: {  	[dreg:$0x3] =	wrdreg s2  }
0x28: {  	[dreg:$0x4] =	wrdreg $0x9  }
0x29: {  	_ =	task.clear_ibuf [dreg:s7], $0x5FFFF;
	_ =	strace $0x90000049  }
0x2a: {  	s29 =	simm.s32 $0x9;
	_ =	strace $0x8000004B  }
0x2b: {  	_ =	swait.ge [sflag:s29], $0x1  }
0x2c: {  	[sflag:s29] =	ssyncadd.s32 $0xFFFFFFFF  }
0x2d: {  	_ =	strace $0x9000004B  }
0x2e: {  	_ =	sfence  }
0x2f: {  	s30 =	sld [smem:$0x0];
	_ =	sdelay $0x2  }
0x30: {  	s31 =	sshll.u32 s1, $0xD;
	s1 =	sshrl.u32 s1, $0x2  }
0x31: {  	s3 =	sand.u32 $0x4000, s31;
	s1 =	sadd.s32 s1, s30  }
0x32: {  	s0 =	sor.u32 s3, s0;
	s1 =	sshll.u32 s1, $0x11  }
0x33: {  	s0 =	sor.u32 s1, s0  }
0x34: {  	s0 =	sadd.s32 $0x8F2B, s0  }
0x35: {  	[sflag:s0] =	ssyncadd.remote.s32 $0x1  }
0x36: {  	_ =	sfence.sel $0xFFFF  }
0x37: {  	[dreg:$0x0] =	wrdreg $0xFFFFFFFF;
	(pc) =	sbr.abs _section_cstart, $3  }
0x38: {  	[dreg:$0x1] =	wrdreg $0xFFFFFFFF  }
0x39: {  	_ =	task.clear_ibuf [dreg:s7], $0x2FFFF;
	_ =	strace $0x9FFFFFFF  }
0x3a: {  	(tm) =	ssettm $0x7FFFFFFF  }
0x3b: {  	_ =	shalt  }
tec
execute0_lowered:
.L_overlay_start_1:
0x0: {  	(tag) =	ssettag $0x1  }
0x1: {  	s0 =	srdreg.scid  }
0x2: {  	s1 =	sshll.u32 s0, $0x4  }
0x3: {  	s4 =	rddreg [dreg:$0x0];
	s0 =	stileid.u32;
	s1 =	sand.u32 $0x10, s1  }
0x4: {  	s2 =	rddreg [dreg:$0x1];
	s7 =	simm.s32 $0x1;
	s1 =	sor.u32 s0, s1  }
0x5: {  	s8 =	simm.s32 $0x2;
	s11 =	simm.s32 $0x0;
	s3 =	sshll.u32 s1, $0x7  }
0x6: {  	s10 =	simm.s32 $0x0;
	s4 =	sadd.s32 $0x800, s4;
	s6 =	ssub.s32 $0x16F800, s3  }
.Ltmp0:
0x7: {  	s1 =	rddreg [dreg:$0x2];
	s5 =	sand.u32 $0xF80, s6;
	(pc) =	sbr.rel .LBB1_1-.Ltmp0, $4  }
0x8: {  	_ =	strace $0x8000004A;
	s9 =	smov.u32 s3;
	p0 =	sne.s32 s5, $0x0  }
0x9: {  	s6 =	sshrl.u32 s6, $0xC;
	s5 =	simm.s32 $0x1;
	s7 =	simm.s32 @!p0 $0x0  }
0xa: {  	[sflag:s5] =	ssyncpa.u1 $0x0;
	p0 =	por $0x0, $0x0;
	s6 =	sadd.s32 s7, s6  }
0xb: {  	[sflag:s8] =	ssyncpa.u1 $0x0;
	s8 =	simm.s32 $0xB7C000;
	s7 =	sadd.s32 $0x1, s6  }
.LBB1_4:
0xc: {  	s14 =	sshll.u32 s11, $0x3  }
0xd: {  	s30 =	sand.u32 $0x7F, s11;
	s15 =	sand.u32 $0xFFFFFC00, s14  }
0xe: {  	s11 =	sor.u32 s30, s15  }
0xf: {  	s15 =	smulhi.u32 $0xB25449D7, s11  }
0x10: {  	s14 =	smulhi.u32 $0xB25449D7, s14  }
0x11: {  	s15 =	sshrl.u32 s15, $0x14  }
0x12: {  	s14 =	sshrl.u32 s14, $0x14;
	s15 =	smul.u32 $0x16F800, s15  }
0x13: {  	s14 =	sand.u32 $0x1F, s14  }
0x14: {  	s14 =	smul.u32 $0x2DF00, s14;
	s11 =	ssub.s32 s11, s15  }
0x15: {  	s15 =	sand.u32 $0x7, s11  }
0x16: {  	s14 =	sadd.s32 s2, s14;
	s11 =	sshrl.u32 s11, $0x3;
	s15 =	sshll.u32 s15, $0x12  }
0x17: {  	[tilespmem:s13+$0x0 ss:$0x81] =	vst.msk $0xffff, v0;
	s11 =	sadd.s32 s11, s14;
	s31 =	sor.u32 $0x400, s15  }
0x18: {  	[hbm4b:s11+s31] =	stream.strided.scatter [tilespmem:s12], [sflag:$0x2], $0x1000, s8, s31, $0x20;
	[tilespmem:$0x4040] =	vst v63  }
.LBB1_5:
0x19: {  	s13 =	sadd.s32 $0x1000, s9  }
0x1a: {  	p2 =	sgt.s32 s13, $0x16F7FF  }
0x1b: {  	s13 =	smov.u32 @p2 s3;
	p2 =	sne.s32 s10, s7  }
.Ltmp1:
0x1c: {  	p1 =	slt.u32 s10, $0x2;
	(pc) =	sbr.rel @!p2 .LBB1_6-.Ltmp1, $4  }
0x1d: {  	s12 =	simm.s32 @!p1 $0x2  }
0x1e: {  	s14 =	sadd.s32 $0x1, s10;
	_ =	swait.ge @!p1 [sflag:s12], $0x1000  }
0x1f: {  	s11 =	smov.u32 s9;
	p0 =	por !p0, !p0;
	[sflag:s12] =	ssyncset.done @!p1 $0x0  }
0x20: {  	s10 =	smov.u32 s14;
	s9 =	smov.u32 s13;
	[sflag:s12] =	ssyncadd.s32 @!p1 $0xFFFFF000  }
.LBB1_1:
0x21: {  	p1 =	sge.u32 s10, s6  }
0x22: {  	s12 =	sand.u32 @!p1 $0x1FFFFFF, s9  }
0x23: {  	s13 =	smulhi.u32 @!p1 $0x592A25, s12;
	_ =	sdelay $0x1  }
0x24: {  	s13 =	sshrl.u32 @!p1 s13, $0xB  }
0x25: {  	s13 =	smul.u32 @!p1 $0x16F800, s13;
	_ =	sdelay $0x1  }
0x26: {  	s31 =	sadd.s32 $0xFFFFFFFF, s10;
	s14 =	sxor.u32 @!p1 $0xFFFFFFFF, s10;
	s12 =	ssub.s32 @!p1 s12, s13  }
0x27: {  	s15 =	simm.s32 @!p1 $0x80;
	s14 =	sshll.u32 @!p1 s14, $0xC;
	s12 =	sshll.u32 @!p1 s12, $0x4  }
0x28: {  	s13 =	sand.u32 @!p1 $0x1000, s14;
	s14 =	simm.s32 @!p1 $0x20;
	s12 =	sadd.s32 @!p1 s4, s12  }
0x29: {  	[tilespmem:s13], [sflag:$0x1] =	stream.strided.gather @!p1 [hbm4b:s12+s14], $0x1000, s15, s14, $0x38;
	[tilespmem:$0x4040] =	vst v63  }
0x2a: {  	p1 =	sge.u32 s31, s6  }
.Ltmp2:
0x2b: {  	_ = 	snop;
	(pc) =	sbr.rel @p1 .LBB1_5-.Ltmp2, $1  }
0x2c: {  	_ =	sdelay $0x3  }
0x2d: {  	s12 =	simm.s32 $0x1  }
0x2e: {  	_ =	swait.ge [sflag:s5], $0x1000;
	s12 =	simm.s32 @!p0 $0x0  }
0x2f: {  	[sflag:s5] =	ssyncset.done $0x0;
	s13 =	sshll.u32 s12, $0xC  }
0x30: {  	[sflag:s5] =	ssyncadd.s32 $0xFFFFF000;
	s16 =	sor.u32 $0x10, s13  }
0x31: {  	s12 =	smul.u32 $0x4080, s12;
	v1 =	vld [tilespmem:s16+$0x0]  }
0x32: {  	s30 =	sand.u32 $0x1, s10;
	v0 =	vld [tilespmem:s16+$0xFFFFFFF0]  }
0x33: {  	s13 =	smul.u32 $0x4080, s30;
	s12 =	sshrl.u32 s12, $0x2  }
0x34: {  	s14 =	sor.u32 $0x2000, s12  }
0x35: {  	s31 =	sshrl.u32 s13, $0x2;
	s13 =	sadd.s32 $0x0, s14  }
0x36: {  	s15 =	simm.s32 $0x4;
	s16 =	sadd.s32 $0x20, s16;
	s12 =	sor.u32 $0x2000, s31;
	[tilespmem:s13+$0x810 ss:$0x81] =	vst.msk $0xffff, v1  }
.LBB1_3:
0x37: {  	v1 =	vld [tilespmem:s16+$0x0];
	p1 =	sne.s32 s15, $0x1FC;
	[tilespmem:s13+$0x0 ss:$0x81] =	vst.msk $0xffff, v0;
	s13 =	smov.u32 s15;
	s15 =	sadd.s32 $0x4, s15  }
.Ltmp3:
0x38: {  	v0 =	vld [tilespmem:s16+$0xFFFFFFF0];
	(pc) =	sbr.rel @p1 .LBB1_3-.Ltmp3, $4  }
0x39: {  	_ = 	snop  }
0x3a: {  	s13 =	sshra.s32 s13, $0x2  }
0x3b: {  	s13 =	sadd.s32 s13, s14  }
0x3c: {  	s16 =	sadd.s32 $0x20, s16;
	[tilespmem:s13+$0x810 ss:$0x81] =	vst.msk $0xffff, v1  }
.Ltmp4:
0x3d: {  	_ = 	snop;
	(pc) =	sbr.rel .LBB1_4-.Ltmp4, $1  }
0x3e: {  	_ =	sdelay $0x3  }
.LBB1_6:
0x3f: {  	_ =	sfence.sel $0x180000  }
0x40: {  	s2 =	simm.s32 $0x1;
	[bflag:$0x0] =	sbarrier.arrive $0xFFFF  }
0x41: {  	s31 =	simm.s32 $0x2;
	[sflag:s2] =	ssyncpa.u1 $0x1  }
0x42: {  	[sflag:s31] =	ssyncpa.u1 $0x1  }
0x43: {  	p0 =	sne.s32 s0, $0x0;
	_ =	strace $0x9000004A  }
0x44: {  	s0 =	sadd.s32 @!p0 $0x100000, s1;
	[bflag:$0x2] =	sbarrier.arrive $0xFFFF  }
0x45: {  	[sflag:s0] =	ssyncadd.tile.s32 @!p0 $0x1;
	_ =	shalt  }
.Lfunc_end1:
_tile_overlayer_lowered:
.L_overlay_start_2:
0x46: {  	(tag) =	ssettag $0x2  }
0x47: {  	s0 =	rddreg [dreg:$0x0];
	s2 =	stileid.u32  }
0x48: {  	s1 =	rddreg [dreg:$0x1];
	p0 =	sne.s32 s2, $0x0  }
0x49: {  	s3 =	rddreg [dreg:$0x2];
	[bflag:$0x3] =	sbarrier.arrive $0xFFFF;
	s2 =	simm.s32 @!p0 $0x1C01  }
0x4a: {  	[timem:s3], [sflag:s2] =	dma.local @!p0 [hbm:s0], s1  }
0x4b: {  	s0 =	simm.s32 @!p0 $0x1  }
0x4c: {  	_ =	swait.ge @!p0 [sflag:s0], s1  }
0x4d: {  	s1 =	ssub.s32 @!p0 $0x0, s1;
	[sflag:s0] =	ssyncset.done @!p0 $0x0  }
0x4e: {  	[sflag:s0] =	ssyncadd.s32 @!p0 s1  }
0x4f: {  	[bflag:$0x3] =	sbarrier.arrive $0xFFFF  }
0x50: {  	_ =	shalt  }

</sc_bundles>
